<compile_context>
chip_gen: v7x
topology: tpu7x:2x2x1
jax: 0.10.2.dev20260603
libtpu: 0.0.44.dev20260713+nightly
codegen_flags: <defaults>
</compile_context>

<pallas_src>
import functools

import jax
import jax.numpy as jnp
from jax import lax
from jax.experimental import pallas as pl
from jax.experimental.pallas import tpu as pltpu
from jax.experimental.pallas import tpu_sc as plsc

_D = 32
_N_CODE = 8192
_N_TOK = 8192
_T = 4096
_NI = _N_TOK // _T
_C = 2048
_NJ = _N_CODE // _C
_GRP = 2048 // _C
_NW = 32
_BPW = _N_TOK // _NW


def _prep_body(e_ref, x_ref, ebf_ref, esq_ref, xbf_ref, xsq_ref):
    e = e_ref[...]
    ebf_ref[...] = (e * -2.0).astype(jnp.bfloat16)
    esq_ref[...] = jnp.sum(e * e, axis=1, keepdims=True)
    x = x_ref[...]
    xbf_ref[...] = x.astype(jnp.bfloat16)
    sq = (x * x).reshape(_NI, _T, _D)
    xsq_ref[...] = lax.dot_general(
        jnp.ones((_NI, 1, _D), jnp.float32), sq,
        (((2,), (2,)), ((0,), (0,))),
        preferred_element_type=jnp.float32,
        precision=lax.Precision.HIGHEST)


_prep_call = pl.pallas_call(
    _prep_body,
    out_shape=[
        jax.ShapeDtypeStruct((_N_CODE, _D), jnp.bfloat16),
        jax.ShapeDtypeStruct((_N_CODE, 1), jnp.float32),
        jax.ShapeDtypeStruct((_N_TOK, _D), jnp.bfloat16),
        jax.ShapeDtypeStruct((_NI, 1, _T), jnp.float32),
    ],
)


def _argmin_body(xbf_ref, ebf_ref, esq_ref, xsq_ref, idx_ref, dsum_ref,
                 gmin_ref, garg_ref, amin_ref, aarg_ref, aval_ref):
    i = pl.program_id(0)
    j = pl.program_id(1)

    sneg2 = lax.dot_general(
        ebf_ref[...], xbf_ref[...],
        (((1,), (1,)), ((), ())),
        preferred_element_type=jnp.float32)
    d = (xsq_ref[0] + esq_ref[...]) + sneg2
    m = d
    while m.shape[0] > 8:
        h = m.shape[0] // 2
        m = jnp.minimum(m[:h], m[h:])
    cmin = jnp.min(m, axis=0)[None, :]
    rows = lax.broadcasted_iota(jnp.int32, d.shape, 0)
    r = jnp.where(d == cmin, rows, _N_CODE)
    while r.shape[0] > 8:
        h = r.shape[0] // 2
        r = jnp.minimum(r[:h], r[h:])
    carg = jnp.min(r, axis=0)[None, :] + j * _C

    @pl.when(j % _GRP == 0)
    def _():
        gmin_ref[...] = cmin
        garg_ref[...] = carg

    @pl.when(j % _GRP != 0)
    def _():
        better = cmin < gmin_ref[...]
        garg_ref[...] = jnp.where(better, carg, garg_ref[...])
        gmin_ref[...] = jnp.where(better, cmin, gmin_ref[...])

    @pl.when(j == _GRP - 1)
    def _():
        aarg_ref[...] = garg_ref[...]
        amin_ref[...] = gmin_ref[...].astype(jnp.bfloat16).astype(jnp.float32)
        aval_ref[...] = gmin_ref[...]

    @pl.when(jnp.logical_and(j % _GRP == _GRP - 1, j != _GRP - 1))
    def _():
        upd = gmin_ref[...] < amin_ref[...]
        aarg_ref[...] = jnp.where(upd, garg_ref[...], aarg_ref[...])
        merged = jnp.where(upd, gmin_ref[...], amin_ref[...])
        amin_ref[...] = merged.astype(jnp.bfloat16).astype(jnp.float32)
        aval_ref[...] = jnp.where(upd, gmin_ref[...], aval_ref[...])

    @pl.when(j == _NJ - 1)
    def _():
        idx_ref[...] = aarg_ref[...].reshape(1, 1, _T)
        partial = jnp.sum(aval_ref[...])

        @pl.when(i == 0)
        def _():
            dsum_ref[0, 0] = 0.0

        dsum_ref[0, 0] += partial


_argmin_call = pl.pallas_call(
    _argmin_body,
    grid=(_NI, _NJ),
    in_specs=[
        pl.BlockSpec((_T, _D), lambda i, j: (i, 0)),
        pl.BlockSpec((_C, _D), lambda i, j: (j, 0)),
        pl.BlockSpec((_C, 1), lambda i, j: (j, 0)),
        pl.BlockSpec((1, 1, _T), lambda i, j: (i, 0, 0)),
    ],
    out_specs=[
        pl.BlockSpec((1, 1, _T), lambda i, j: (i, 0, 0)),
        pl.BlockSpec(memory_space=pltpu.SMEM, block_shape=(1, 1),
                     index_map=lambda i, j: (0, 0)),
    ],
    out_shape=[
        jax.ShapeDtypeStruct((_NI, 1, _T), jnp.int32),
        jax.ShapeDtypeStruct((1, 1), jnp.float32),
    ],
    scratch_shapes=[
        pltpu.VMEM((1, _T), jnp.float32),
        pltpu.VMEM((1, _T), jnp.int32),
        pltpu.VMEM((1, _T), jnp.float32),
        pltpu.VMEM((1, _T), jnp.int32),
        pltpu.VMEM((1, _T), jnp.float32),
    ],
)


def _gather_body(table_hbm, idx_hbm, out_hbm, idx_v, rows_v, sem):
    wid = lax.axis_index("s") * 2 + lax.axis_index("c")
    base = wid * _BPW
    pltpu.sync_copy(idx_hbm.at[pl.ds(base, _BPW)], idx_v)
    pltpu.async_copy(table_hbm.at[idx_v], rows_v, sem).wait()
    pltpu.sync_copy(rows_v, out_hbm.at[pl.ds(base, _BPW)])


@functools.lru_cache(maxsize=1)
def _make_gather_call():
    return functools.partial(
        pl.kernel,
        mesh=plsc.VectorSubcoreMesh(core_axis_name="c", subcore_axis_name="s"),
        out_type=jax.ShapeDtypeStruct((_N_TOK, _D), jnp.float32),
        scratch_types=[
            pltpu.VMEM((_BPW,), jnp.int32),
            pltpu.VMEM((_BPW, _D), jnp.float32),
            pltpu.SemaphoreType.DMA,
        ],
        compiler_params=pltpu.CompilerParams(use_tc_tiling_on_sc=False),
    )(_gather_body)


@jax.jit
def kernel(x, embeddings):
    flat_x = x.reshape(-1, _D)
    ebf, esq, xbf, xsq = _prep_call(embeddings, flat_x)
    idx3d, dsum = _argmin_call(xbf, ebf, esq, xsq)
    idx = idx3d.reshape(_N_TOK)
    flat_q = _make_gather_call()(embeddings, idx)
    quantized = flat_q.reshape(x.shape)
    loss = (1.0 + 0.25) * dsum[0, 0] / jnp.float32(x.size)
    return (quantized, loss)

# --- scband reference (transcript-rebuilt; emitter-appended) ---
"""Pipeline reference for scband-vector-quantizer-55903294324894 (READ-ONLY COPY).

The authoritative reference and input builder live on the scoring server;
editing this copy changes nothing except your own understanding.
"""

import jax, jax.numpy as jnp
import numpy as np

EMBEDDING_DIM = 32
NUM_EMBEDDINGS = 8192
COMMITMENT_COST = 0.25
EMBEDDING_COST = 1.0


def setup_inputs(seed: int = 0) -> dict:
    key = jax.random.key(seed)
    kx, kw = jax.random.split(key)
    x = jax.random.normal(kx, (8, 1024, 32), dtype=jnp.float32)
    # nn.Embedding default init: N(0, 1)
    embeddings = jax.random.normal(kw, (NUM_EMBEDDINGS, EMBEDDING_DIM), dtype=jnp.float32)
    return {"x": x, "embeddings": embeddings}


def reference(x, embeddings):
    d = EMBEDDING_DIM
    flat_x = x.reshape(-1, d)
    distances = (
        jnp.sum(flat_x ** 2, axis=1, keepdims=True)
        + jnp.sum(embeddings ** 2, axis=1)
        - 2.0 * jnp.matmul(flat_x, embeddings.T)
    )
    encoding_indices = jnp.argmin(distances, axis=1)
    flat_quantized = jnp.take(embeddings, encoding_indices, axis=0)
    quantized = flat_quantized.reshape(x.shape)
    q_latent_loss = jnp.mean((quantized - jax.lax.stop_gradient(x)) ** 2) * EMBEDDING_COST
    e_latent_loss = jnp.mean((x - jax.lax.stop_gradient(quantized)) ** 2) * COMMITMENT_COST
    loss = q_latent_loss + e_latent_loss
    quantized_st = x + jax.lax.stop_gradient(quantized - x)
    return (quantized_st, loss)

if __name__ == "__main__":
    import jax
    _d = setup_inputs()
    print(jax.jit(kernel)(*tuple(_d.values())))

</pallas_src>

<mosaic_0001>
#map = affine_map<(d0, d1) -> (0, 0)>
#map1 = affine_map<(d0, d1) -> (0)>
module attributes {stable_mosaic.version = 14 : i64} {
  func.func @_gather_body(%arg0: i32, %arg1: i32, %arg2: memref<8192x32xf32, #tpu.memory_space<hbm>>, %arg3: memref<8192xi32, #tpu.memory_space<hbm>>, %arg4: memref<8192x32xf32, #tpu.memory_space<hbm>>, %arg5: memref<256xi32, #tpu.memory_space<vmem>>, %arg6: memref<256x32xf32, #tpu.memory_space<vmem>>, %arg7: memref<!tpu.dma_semaphore, #tpu.memory_space<semaphore_mem>>) attributes {dimension_semantics = [#tpu.dimension_semantics<core_parallel>, #tpu.dimension_semantics<subcore_parallel>], iteration_bounds = array<i64: 2, 16>, scalar_prefetch = 0 : i64, scratch_operands = 3 : i64, tpu.core_type = #tpu.core_type<sc_vector_subcore>, window_params = [{transform_indices = #map}, {transform_indices = #map1}, {transform_indices = #map}]} {
    %mul3A = arith.constant 2 : i32
    %mul3A_0 = arith.muli %arg1, %mul3A : i32
    %add3A = arith.addi %mul3A_0, %arg0 : i32
    %mul3A_1 = arith.constant 256 : i32
    %mul3A_2 = arith.muli %add3A, %mul3A_1 : i32
    "tpu.region"() ({
      %run_scoped3A = tpu.sem_alloc : memref<!tpu.dma_semaphore, #tpu.memory_space<semaphore_mem>>
      %dma_start3A_7 = tpu.memref_slice %arg3[%mul3A_2] : memref<8192xi32, #tpu.memory_space<hbm>> -> memref<256xi32, #tpu.memory_space<hbm>>
      %dma_start3A_8 = tpu.memref_slice %arg3[%mul3A_2] : memref<8192xi32, #tpu.memory_space<hbm>> -> memref<256xi32, #tpu.memory_space<hbm>>
      tpu.enqueue_dma source(%dma_start3A_8 : memref<256xi32, #tpu.memory_space<hbm>>) target(%arg5 : memref<256xi32, #tpu.memory_space<vmem>>) target_semaphore(%run_scoped3A : memref<!tpu.dma_semaphore, #tpu.memory_space<semaphore_mem>>)
      %dma_wait3A_9 = tpu.memref_slice %arg3[%mul3A_2] : memref<8192xi32, #tpu.memory_space<hbm>> -> memref<256xi32, #tpu.memory_space<hbm>>
      %dma_wait3A_10 = tpu.memref_slice %arg3[%mul3A_2] : memref<8192xi32, #tpu.memory_space<hbm>> -> memref<256xi32, #tpu.memory_space<hbm>>
      tpu.wait_dma2 semaphore(%run_scoped3A : memref<!tpu.dma_semaphore, #tpu.memory_space<semaphore_mem>>) src(%dma_wait3A_10 : memref<256xi32, #tpu.memory_space<hbm>>) dst(%arg5 : memref<256xi32, #tpu.memory_space<vmem>>)
      tpu.yield
    }) : () -> ()
    %dma_start3A = arith.constant 0 : i32
    %dma_start3A_3 = arith.constant 0 : i32
    %dma_start3A_4 = tpu.memref_slice %arg2[%dma_start3A, %dma_start3A_3] : memref<8192x32xf32, #tpu.memory_space<hbm>> -> memref<8192x32xf32, #tpu.memory_space<hbm>>
    tpu.enqueue_indirect_dma source(%dma_start3A_4 : memref<8192x32xf32, #tpu.memory_space<hbm>>) target(%arg6 : memref<256x32xf32, #tpu.memory_space<vmem>>) offsets(%arg5 : memref<256xi32, #tpu.memory_space<vmem>>) semaphore(%arg7 : memref<!tpu.dma_semaphore, #tpu.memory_space<semaphore_mem>>)
    %dma_wait3A = arith.constant 0 : i32
    %dma_wait3A_5 = arith.constant 0 : i32
    %dma_wait3A_6 = tpu.memref_slice %arg2[%dma_wait3A, %dma_wait3A_5] : memref<8192x32xf32, #tpu.memory_space<hbm>> -> memref<8192x32xf32, #tpu.memory_space<hbm>>
    tpu.wait_indirect_dma semaphore(%arg7 : memref<!tpu.dma_semaphore, #tpu.memory_space<semaphore_mem>>) src(%dma_wait3A_6 : memref<8192x32xf32, #tpu.memory_space<hbm>>) dst(%arg6 : memref<256x32xf32, #tpu.memory_space<vmem>>)
    "tpu.region"() ({
      %run_scoped3A = tpu.sem_alloc : memref<!tpu.dma_semaphore, #tpu.memory_space<semaphore_mem>>
      %dma_start3A_7 = arith.constant 0 : i32
      %dma_start3A_8 = tpu.memref_slice %arg4[%mul3A_2, %dma_start3A_7] : memref<8192x32xf32, #tpu.memory_space<hbm>> -> memref<256x32xf32, #tpu.memory_space<hbm>>
      %dma_start3A_9 = arith.constant 0 : i32
      %dma_start3A_10 = tpu.memref_slice %arg4[%mul3A_2, %dma_start3A_9] : memref<8192x32xf32, #tpu.memory_space<hbm>> -> memref<256x32xf32, #tpu.memory_space<hbm>>
      tpu.enqueue_dma source(%arg6 : memref<256x32xf32, #tpu.memory_space<vmem>>) target(%dma_start3A_10 : memref<256x32xf32, #tpu.memory_space<hbm>>) target_semaphore(%run_scoped3A : memref<!tpu.dma_semaphore, #tpu.memory_space<semaphore_mem>>)
      %dma_wait3A_11 = arith.constant 0 : i32
      %dma_wait3A_12 = tpu.memref_slice %arg4[%mul3A_2, %dma_wait3A_11] : memref<8192x32xf32, #tpu.memory_space<hbm>> -> memref<256x32xf32, #tpu.memory_space<hbm>>
      %dma_wait3A_13 = arith.constant 0 : i32
      %dma_wait3A_14 = tpu.memref_slice %arg4[%mul3A_2, %dma_wait3A_13] : memref<8192x32xf32, #tpu.memory_space<hbm>> -> memref<256x32xf32, #tpu.memory_space<hbm>>
      tpu.wait_dma2 semaphore(%run_scoped3A : memref<!tpu.dma_semaphore, #tpu.memory_space<semaphore_mem>>) src(%arg6 : memref<256x32xf32, #tpu.memory_space<vmem>>) dst(%dma_wait3A_14 : memref<256x32xf32, #tpu.memory_space<hbm>>)
      tpu.yield
    }) : () -> ()
    return
  }
}

module attributes {stable_mosaic.version = 14 : i64} {
  func.func @_prep_body(%arg0: memref<8192x32xf32, #tpu.memory_space<vmem>>, %arg1: memref<8192x32xf32, #tpu.memory_space<vmem>>, %arg2: memref<8192x32xbf16, #tpu.memory_space<vmem>>, %arg3: memref<8192x1xf32, #tpu.memory_space<vmem>>, %arg4: memref<8192x32xbf16, #tpu.memory_space<vmem>>, %arg5: memref<2x1x4096xf32, #tpu.memory_space<vmem>>) attributes {dimension_semantics = [], scalar_prefetch = 0 : i64, scratch_operands = 0 : i64, tpu.core_type = #tpu.core_type<tc>} {
    %get3A = arith.constant 0 : index
    %get3A_0 = arith.constant 0 : index
    %get3A_1 = vector.load %arg0[%get3A, %get3A_0] : memref<8192x32xf32, #tpu.memory_space<vmem>>, vector<8192x32xf32>
    %mul3A = arith.constant -2.000000e+00 : f32
    %mul3A_2 = vector.broadcast %mul3A : f32 to vector<8192x32xf32>
    %mul3A_3 = arith.mulf %get3A_1, %mul3A_2 : vector<8192x32xf32>
    %convert_element_type3A = arith.truncf %mul3A_3 : vector<8192x32xf32> to vector<8192x32xbf16>
    %swap3A = arith.constant 0 : index
    %swap3A_4 = arith.constant 0 : index
    %swap3A_5 = vector.load %arg2[%swap3A, %swap3A_4] : memref<8192x32xbf16, #tpu.memory_space<vmem>>, vector<8192x32xbf16>
    tpu.vector_store %arg2[%swap3A, %swap3A_4], %convert_element_type3A {strides = array<i32>} : memref<8192x32xbf16, #tpu.memory_space<vmem>>, vector<8192x32xbf16>,
    %mul3A_6 = arith.mulf %get3A_1, %get3A_1 : vector<8192x32xf32>
    %reduce_sum3A = arith.constant dense<0.000000e+00> : vector<8192xf32>
    %reduce_sum3A_7 = vector.multi_reduction <add>, %mul3A_6, %reduce_sum3A [1] : vector<8192x32xf32> to vector<8192xf32>
    %broadcast_in_dim3A = vector.shape_cast %reduce_sum3A_7 : vector<8192xf32> to vector<8192x1xf32>
    %swap3A_8 = arith.constant 0 : index
    %swap3A_9 = arith.constant 0 : index
    %swap3A_10 = vector.load %arg3[%swap3A_8, %swap3A_9] : memref<8192x1xf32, #tpu.memory_space<vmem>>, vector<8192x1xf32>
    tpu.vector_store %arg3[%swap3A_8, %swap3A_9], %broadcast_in_dim3A {strides = array<i32>} : memref<8192x1xf32, #tpu.memory_space<vmem>>, vector<8192x1xf32>,
    %get3A_11 = arith.constant 0 : index
    %get3A_12 = arith.constant 0 : index
    %get3A_13 = vector.load %arg1[%get3A_11, %get3A_12] : memref<8192x32xf32, #tpu.memory_space<vmem>>, vector<8192x32xf32>
    %convert_element_type3A_14 = arith.truncf %get3A_13 : vector<8192x32xf32> to vector<8192x32xbf16>
    %swap3A_15 = arith.constant 0 : index
    %swap3A_16 = arith.constant 0 : index
    %swap3A_17 = vector.load %arg4[%swap3A_15, %swap3A_16] : memref<8192x32xbf16, #tpu.memory_space<vmem>>, vector<8192x32xbf16>
    tpu.vector_store %arg4[%swap3A_15, %swap3A_16], %convert_element_type3A_14 {strides = array<i32>} : memref<8192x32xbf16, #tpu.memory_space<vmem>>, vector<8192x32xbf16>,
    %mul3A_18 = arith.mulf %get3A_13, %get3A_13 : vector<8192x32xf32>
    %reshape3A = vector.shape_cast %mul3A_18 : vector<8192x32xf32> to vector<2x4096x32xf32>
    %broadcast_in_dim3A_19 = arith.constant 1.000000e+00 : f32
    %broadcast_in_dim3A_20 = vector.broadcast %broadcast_in_dim3A_19 : f32 to vector<2x1x32xf32>
    %dot_general3A = arith.constant dense<0.000000e+00> : vector<2x1x4096xf32>
    %dot_general3A_21 = tpu.matmul %broadcast_in_dim3A_20, %reshape3A, %dot_general3A {dimension_numbers = #tpu.dot_dimension_numbers<[2], [2], [1], [1], [0, 0, 0, 1, 1, 1], [0], [0]>, precision = #tpu.contract_precision<fp32>, transpose_lhs_hint = false} : vector<2x1x32xf32>, vector<2x4096x32xf32>, vector<2x1x4096xf32> -> vector<2x1x4096xf32>
    %swap3A_22 = arith.constant 0 : index
    %swap3A_23 = arith.constant 0 : index
    %swap3A_24 = arith.constant 0 : index
    %swap3A_25 = vector.load %arg5[%swap3A_22, %swap3A_23, %swap3A_24] : memref<2x1x4096xf32, #tpu.memory_space<vmem>>, vector<2x1x4096xf32>
    tpu.vector_store %arg5[%swap3A_22, %swap3A_23, %swap3A_24], %dot_general3A_21 {strides = array<i32>} : memref<2x1x4096xf32, #tpu.memory_space<vmem>>, vector<2x1x4096xf32>,
    return
  }
}

module attributes {stable_mosaic.version = 14 : i64} {
  func.func @_argmin_body(%arg0: i32, %arg1: i32, %arg2: memref<4096x32xbf16, #tpu.memory_space<vmem>>, %arg3: memref<2048x32xbf16, #tpu.memory_space<vmem>>, %arg4: memref<2048x1xf32, #tpu.memory_space<vmem>>, %arg5: memref<1x1x4096xf32, #tpu.memory_space<vmem>>, %arg6: memref<1x1x4096xi32, #tpu.memory_space<vmem>>, %arg7: memref<1x1xf32, #tpu.memory_space<smem>>, %arg8: memref<1x4096xf32, #tpu.memory_space<vmem>>, %arg9: memref<1x4096xi32, #tpu.memory_space<vmem>>, %arg10: memref<1x4096xf32, #tpu.memory_space<vmem>>, %arg11: memref<1x4096xi32, #tpu.memory_space<vmem>>, %arg12: memref<1x4096xf32, #tpu.memory_space<vmem>>) attributes {dimension_semantics = [#tpu.dimension_semantics<arbitrary>, #tpu.dimension_semantics<arbitrary>], iteration_bounds = array<i64: 2, 4>, scalar_prefetch = 0 : i64, scratch_operands = 5 : i64, tpu.core_type = #tpu.core_type<tc>, window_params = [{transform_indices = @transform_0, window_bounds = array<i64: 4096, 32>}, {transform_indices = @transform_1, window_bounds = array<i64: 2048, 32>}, {transform_indices = @transform_2, window_bounds = array<i64: 2048, 1>}, {transform_indices = @transform_3, window_bounds = array<i64: 1, 1, 4096>}, {transform_indices = @transform_4, window_bounds = array<i64: 1, 1, 4096>}, {transform_indices = @transform_5, window_bounds = array<i64: 1, 1>}]} {
    %get3A = arith.constant 0 : index
    %get3A_0 = arith.constant 0 : index
    %get3A_1 = vector.load %arg3[%get3A, %get3A_0] : memref<2048x32xbf16, #tpu.memory_space<vmem>>, vector<2048x32xbf16>
    %get3A_2 = arith.constant 0 : index
    %get3A_3 = arith.constant 0 : index
    %get3A_4 = vector.load %arg2[%get3A_2, %get3A_3] : memref<4096x32xbf16, #tpu.memory_space<vmem>>, vector<4096x32xbf16>
    %dot_general3A = arith.constant dense<0.000000e+00> : vector<2048x4096xf32>
    %dot_general3A_5 = tpu.matmul %get3A_1, %get3A_4, %dot_general3A {dimension_numbers = #tpu.dot_dimension_numbers<[1], [1], [0], [0], [0, 0, 1, 0], [], []>, transpose_lhs_hint = false} : vector<2048x32xbf16>, vector<4096x32xbf16>, vector<2048x4096xf32> -> vector<2048x4096xf32>
    %get3A_6 = arith.constant 0 : index
    %get3A_7 = arith.constant 0 : index
    %get3A_8 = arith.constant 0 : index
    %get3A_9 = vector.load %arg5[%get3A_6, %get3A_7, %get3A_8] : memref<1x1x4096xf32, #tpu.memory_space<vmem>>, vector<1x1x4096xf32>
    %get3A_10 = vector.shape_cast %get3A_9 : vector<1x1x4096xf32> to vector<1x4096xf32>
    %get3A_11 = arith.constant 0 : index
    %get3A_12 = arith.constant 0 : index
    %get3A_13 = vector.load %arg4[%get3A_11, %get3A_12] : memref<2048x1xf32, #tpu.memory_space<vmem>>, vector<2048x1xf32>
    %add3A = vector.broadcast %get3A_10 : vector<1x4096xf32> to vector<2048x4096xf32>
    %add3A_14 = vector.broadcast %get3A_13 : vector<2048x1xf32> to vector<2048x4096xf32>
    %add3A_15 = arith.addf %add3A, %add3A_14 : vector<2048x4096xf32>
    %add3A_16 = arith.addf %add3A_15, %dot_general3A_5 : vector<2048x4096xf32>
    %slice3A = vector.extract_strided_slice %add3A_16 {offsets = [0, 0], sizes = [1024, 4096], strides = [1, 1]} : vector<2048x4096xf32> to vector<1024x4096xf32>
    %slice3A_17 = vector.extract_strided_slice %add3A_16 {offsets = [1024, 0], sizes = [1024, 4096], strides = [1, 1]} : vector<2048x4096xf32> to vector<1024x4096xf32>
    %min3A = arith.minimumf %slice3A, %slice3A_17 : vector<1024x4096xf32>
    %slice3A_18 = vector.extract_strided_slice %min3A {offsets = [0, 0], sizes = [512, 4096], strides = [1, 1]} : vector<1024x4096xf32> to vector<512x4096xf32>
    %slice3A_19 = vector.extract_strided_slice %min3A {offsets = [512, 0], sizes = [512, 4096], strides = [1, 1]} : vector<1024x4096xf32> to vector<512x4096xf32>
    %min3A_20 = arith.minimumf %slice3A_18, %slice3A_19 : vector<512x4096xf32>
    %slice3A_21 = vector.extract_strided_slice %min3A_20 {offsets = [0, 0], sizes = [256, 4096], strides = [1, 1]} : vector<512x4096xf32> to vector<256x4096xf32>
    %slice3A_22 = vector.extract_strided_slice %min3A_20 {offsets = [256, 0], sizes = [256, 4096], strides = [1, 1]} : vector<512x4096xf32> to vector<256x4096xf32>
    %min3A_23 = arith.minimumf %slice3A_21, %slice3A_22 : vector<256x4096xf32>
    %slice3A_24 = vector.extract_strided_slice %min3A_23 {offsets = [0, 0], sizes = [128, 4096], strides = [1, 1]} : vector<256x4096xf32> to vector<128x4096xf32>
    %slice3A_25 = vector.extract_strided_slice %min3A_23 {offsets = [128, 0], sizes = [128, 4096], strides = [1, 1]} : vector<256x4096xf32> to vector<128x4096xf32>
    %min3A_26 = arith.minimumf %slice3A_24, %slice3A_25 : vector<128x4096xf32>
    %slice3A_27 = vector.extract_strided_slice %min3A_26 {offsets = [0, 0], sizes = [64, 4096], strides = [1, 1]} : vector<128x4096xf32> to vector<64x4096xf32>
    %slice3A_28 = vector.extract_strided_slice %min3A_26 {offsets = [64, 0], sizes = [64, 4096], strides = [1, 1]} : vector<128x4096xf32> to vector<64x4096xf32>
    %min3A_29 = arith.minimumf %slice3A_27, %slice3A_28 : vector<64x4096xf32>
    %slice3A_30 = vector.extract_strided_slice %min3A_29 {offsets = [0, 0], sizes = [32, 4096], strides = [1, 1]} : vector<64x4096xf32> to vector<32x4096xf32>
    %slice3A_31 = vector.extract_strided_slice %min3A_29 {offsets = [32, 0], sizes = [32, 4096], strides = [1, 1]} : vector<64x4096xf32> to vector<32x4096xf32>
    %min3A_32 = arith.minimumf %slice3A_30, %slice3A_31 : vector<32x4096xf32>
    %slice3A_33 = vector.extract_strided_slice %min3A_32 {offsets = [0, 0], sizes = [16, 4096], strides = [1, 1]} : vector<32x4096xf32> to vector<16x4096xf32>
    %slice3A_34 = vector.extract_strided_slice %min3A_32 {offsets = [16, 0], sizes = [16, 4096], strides = [1, 1]} : vector<32x4096xf32> to vector<16x4096xf32>
    %min3A_35 = arith.minimumf %slice3A_33, %slice3A_34 : vector<16x4096xf32>
    %slice3A_36 = vector.extract_strided_slice %min3A_35 {offsets = [0, 0], sizes = [8, 4096], strides = [1, 1]} : vector<16x4096xf32> to vector<8x4096xf32>
    %slice3A_37 = vector.extract_strided_slice %min3A_35 {offsets = [8, 0], sizes = [8, 4096], strides = [1, 1]} : vector<16x4096xf32> to vector<8x4096xf32>
    %min3A_38 = arith.minimumf %slice3A_36, %slice3A_37 : vector<8x4096xf32>
    %reduce_min3A = arith.constant dense<0x7F800000> : vector<4096xf32>
    %reduce_min3A_39 = vector.multi_reduction <minimumf>, %min3A_38, %reduce_min3A [0] : vector<8x4096xf32> to vector<4096xf32>
    %broadcast_in_dim3A = vector.shape_cast %reduce_min3A_39 : vector<4096xf32> to vector<1x4096xf32>
    %iota3A = tpu.iota {dimensions = array<i32: 0>} : vector<2048x4096xi32>
    %eq3A = vector.broadcast %broadcast_in_dim3A : vector<1x4096xf32> to vector<2048x4096xf32>
    %eq3A_40 = arith.cmpf oeq, %add3A_16, %eq3A : vector<2048x4096xf32>
    %jit3A = arith.constant 8192 : i32
    %broadcast_in_dim3A_41 = vector.broadcast %jit3A : i32 to vector<2048x4096xi32>
    %select_n3A = arith.select %eq3A_40, %iota3A, %broadcast_in_dim3A_41 : vector<2048x4096xi1>, vector<2048x4096xi32>
    %slice3A_42 = vector.extract_strided_slice %select_n3A {offsets = [0, 0], sizes = [1024, 4096], strides = [1, 1]} : vector<2048x4096xi32> to vector<1024x4096xi32>
    %slice3A_43 = vector.extract_strided_slice %select_n3A {offsets = [1024, 0], sizes = [1024, 4096], strides = [1, 1]} : vector<2048x4096xi32> to vector<1024x4096xi32>
    %min3A_44 = arith.minsi %slice3A_42, %slice3A_43 : vector<1024x4096xi32>
    %slice3A_45 = vector.extract_strided_slice %min3A_44 {offsets = [0, 0], sizes = [512, 4096], strides = [1, 1]} : vector<1024x4096xi32> to vector<512x4096xi32>
    %slice3A_46 = vector.extract_strided_slice %min3A_44 {offsets = [512, 0], sizes = [512, 4096], strides = [1, 1]} : vector<1024x4096xi32> to vector<512x4096xi32>
    %min3A_47 = arith.minsi %slice3A_45, %slice3A_46 : vector<512x4096xi32>
    %slice3A_48 = vector.extract_strided_slice %min3A_47 {offsets = [0, 0], sizes = [256, 4096], strides = [1, 1]} : vector<512x4096xi32> to vector<256x4096xi32>
    %slice3A_49 = vector.extract_strided_slice %min3A_47 {offsets = [256, 0], sizes = [256, 4096], strides = [1, 1]} : vector<512x4096xi32> to vector<256x4096xi32>
    %min3A_50 = arith.minsi %slice3A_48, %slice3A_49 : vector<256x4096xi32>
    %slice3A_51 = vector.extract_strided_slice %min3A_50 {offsets = [0, 0], sizes = [128, 4096], strides = [1, 1]} : vector<256x4096xi32> to vector<128x4096xi32>
    %slice3A_52 = vector.extract_strided_slice %min3A_50 {offsets = [128, 0], sizes = [128, 4096], strides = [1, 1]} : vector<256x4096xi32> to vector<128x4096xi32>
    %min3A_53 = arith.minsi %slice3A_51, %slice3A_52 : vector<128x4096xi32>
    %slice3A_54 = vector.extract_strided_slice %min3A_53 {offsets = [0, 0], sizes = [64, 4096], strides = [1, 1]} : vector<128x4096xi32> to vector<64x4096xi32>
    %slice3A_55 = vector.extract_strided_slice %min3A_53 {offsets = [64, 0], sizes = [64, 4096], strides = [1, 1]} : vector<128x4096xi32> to vector<64x4096xi32>
    %min3A_56 = arith.minsi %slice3A_54, %slice3A_55 : vector<64x4096xi32>
    %slice3A_57 = vector.extract_strided_slice %min3A_56 {offsets = [0, 0], sizes = [32, 4096], strides = [1, 1]} : vector<64x4096xi32> to vector<32x4096xi32>
    %slice3A_58 = vector.extract_strided_slice %min3A_56 {offsets = [32, 0], sizes = [32, 4096], strides = [1, 1]} : vector<64x4096xi32> to vector<32x4096xi32>
    %min3A_59 = arith.minsi %slice3A_57, %slice3A_58 : vector<32x4096xi32>
    %slice3A_60 = vector.extract_strided_slice %min3A_59 {offsets = [0, 0], sizes = [16, 4096], strides = [1, 1]} : vector<32x4096xi32> to vector<16x4096xi32>
    %slice3A_61 = vector.extract_strided_slice %min3A_59 {offsets = [16, 0], sizes = [16, 4096], strides = [1, 1]} : vector<32x4096xi32> to vector<16x4096xi32>
    %min3A_62 = arith.minsi %slice3A_60, %slice3A_61 : vector<16x4096xi32>
    %slice3A_63 = vector.extract_strided_slice %min3A_62 {offsets = [0, 0], sizes = [8, 4096], strides = [1, 1]} : vector<16x4096xi32> to vector<8x4096xi32>
    %slice3A_64 = vector.extract_strided_slice %min3A_62 {offsets = [8, 0], sizes = [8, 4096], strides = [1, 1]} : vector<16x4096xi32> to vector<8x4096xi32>
    %min3A_65 = arith.minsi %slice3A_63, %slice3A_64 : vector<8x4096xi32>
    %reduce_min3A_66 = arith.constant dense<2147483647> : vector<4096xi32>
    %reduce_min3A_67 = vector.multi_reduction <minsi>, %min3A_65, %reduce_min3A_66 [0] : vector<8x4096xi32> to vector<4096xi32>
    %broadcast_in_dim3A_68 = vector.shape_cast %reduce_min3A_67 : vector<4096xi32> to vector<1x4096xi32>
    %mul3A = arith.constant 2048 : i32
    %mul3A_69 = arith.muli %arg1, %mul3A : i32
    %add3A_70 = vector.broadcast %mul3A_69 : i32 to vector<1x4096xi32>
    %add3A_71 = arith.addi %broadcast_in_dim3A_68, %add3A_70 : vector<1x4096xi32>
    %jit3A_72 = arith.constant 1 : i32
    %eq3A_73 = arith.constant 0 : i32
    %eq3A_74 = arith.cmpi eq, %jit3A_72, %eq3A_73 : i32
    %jit3A_75 = arith.constant 1 : i32
    %select_n3A_76 = arith.select %eq3A_74, %jit3A_75, %jit3A_72 : i32
    %rem3A = arith.remsi %arg1, %select_n3A_76 : i32
    %ne3A = arith.constant 0 : i32
    %ne3A_77 = arith.cmpi ne, %rem3A, %ne3A : i32
    %lt3A = arith.constant 0 : i32
    %lt3A_78 = arith.cmpi slt, %rem3A, %lt3A : i32
    %lt3A_79 = arith.constant 0 : i32
    %lt3A_80 = arith.cmpi slt, %select_n3A_76, %lt3A_79 : i32
    %ne3A_81 = arith.xori %lt3A_78, %lt3A_80 : i1
    %and3A = arith.andi %ne3A_81, %ne3A_77 : i1
    %add3A_82 = arith.addi %rem3A, %select_n3A_76 : i32
    %select_n3A_83 = arith.select %and3A, %add3A_82, %rem3A : i32
    %eq3A_84 = arith.constant 0 : i32
    %eq3A_85 = arith.cmpi eq, %select_n3A_83, %eq3A_84 : i32
    %convert_element_type3A = arith.extui %eq3A_85 : i1 to i32
    %cond3A = arith.constant 0 : i32
    %cond3A_86 = arith.cmpi ne, %convert_element_type3A, %cond3A : i32
    scf.if %cond3A_86 {
      %swap3A = arith.constant 0 : index
      %swap3A_142 = arith.constant 0 : index
      %swap3A_143 = vector.load %arg8[%swap3A, %swap3A_142] : memref<1x4096xf32, #tpu.memory_space<vmem>>, vector<1x4096xf32>
      tpu.vector_store %arg8[%swap3A, %swap3A_142], %broadcast_in_dim3A {strides = array<i32>} : memref<1x4096xf32, #tpu.memory_space<vmem>>, vector<1x4096xf32>,
      %swap3A_144 = arith.constant 0 : index
      %swap3A_145 = arith.constant 0 : index
      %swap3A_146 = vector.load %arg9[%swap3A_144, %swap3A_145] : memref<1x4096xi32, #tpu.memory_space<vmem>>, vector<1x4096xi32>
      tpu.vector_store %arg9[%swap3A_144, %swap3A_145], %add3A_71 {strides = array<i32>} : memref<1x4096xi32, #tpu.memory_space<vmem>>, vector<1x4096xi32>,
    } else {
    }
    %jit3A_87 = arith.constant 1 : i32
    %eq3A_88 = arith.constant 0 : i32
    %eq3A_89 = arith.cmpi eq, %jit3A_87, %eq3A_88 : i32
    %jit3A_90 = arith.constant 1 : i32
    %select_n3A_91 = arith.select %eq3A_89, %jit3A_90, %jit3A_87 : i32
    %rem3A_92 = arith.remsi %arg1, %select_n3A_91 : i32
    %ne3A_93 = arith.constant 0 : i32
    %ne3A_94 = arith.cmpi ne, %rem3A_92, %ne3A_93 : i32
    %lt3A_95 = arith.constant 0 : i32
    %lt3A_96 = arith.cmpi slt, %rem3A_92, %lt3A_95 : i32
    %lt3A_97 = arith.constant 0 : i32
    %lt3A_98 = arith.cmpi slt, %select_n3A_91, %lt3A_97 : i32
    %ne3A_99 = arith.xori %lt3A_96, %lt3A_98 : i1
    %and3A_100 = arith.andi %ne3A_99, %ne3A_94 : i1
    %add3A_101 = arith.addi %rem3A_92, %select_n3A_91 : i32
    %select_n3A_102 = arith.select %and3A_100, %add3A_101, %rem3A_92 : i32
    %ne3A_103 = arith.constant 0 : i32
    %ne3A_104 = arith.cmpi ne, %select_n3A_102, %ne3A_103 : i32
    %convert_element_type3A_105 = arith.extui %ne3A_104 : i1 to i32
    %cond3A_106 = arith.constant 0 : i32
    %cond3A_107 = arith.cmpi ne, %convert_element_type3A_105, %cond3A_106 : i32
    scf.if %cond3A_107 {
      %get3A_142 = arith.constant 0 : index
      %get3A_143 = arith.constant 0 : index
      %get3A_144 = vector.load %arg8[%get3A_142, %get3A_143] : memref<1x4096xf32, #tpu.memory_space<vmem>>, vector<1x4096xf32>
      %lt3A_145 = arith.cmpf olt, %broadcast_in_dim3A, %get3A_144 : vector<1x4096xf32>
      %get3A_146 = arith.constant 0 : index
      %get3A_147 = arith.constant 0 : index
      %get3A_148 = vector.load %arg9[%get3A_146, %get3A_147] : memref<1x4096xi32, #tpu.memory_space<vmem>>, vector<1x4096xi32>
      %select_n3A_149 = arith.select %lt3A_145, %add3A_71, %get3A_148 : vector<1x4096xi1>, vector<1x4096xi32>
      %swap3A = arith.constant 0 : index
      %swap3A_150 = arith.constant 0 : index
      %swap3A_151 = vector.load %arg9[%swap3A, %swap3A_150] : memref<1x4096xi32, #tpu.memory_space<vmem>>, vector<1x4096xi32>
      tpu.vector_store %arg9[%swap3A, %swap3A_150], %select_n3A_149 {strides = array<i32>} : memref<1x4096xi32, #tpu.memory_space<vmem>>, vector<1x4096xi32>,
      %get3A_152 = arith.constant 0 : index
      %get3A_153 = arith.constant 0 : index
      %get3A_154 = vector.load %arg8[%get3A_152, %get3A_153] : memref<1x4096xf32, #tpu.memory_space<vmem>>, vector<1x4096xf32>
      %select_n3A_155 = arith.select %lt3A_145, %broadcast_in_dim3A, %get3A_154 : vector<1x4096xi1>, vector<1x4096xf32>
      %swap3A_156 = arith.constant 0 : index
      %swap3A_157 = arith.constant 0 : index
      %swap3A_158 = vector.load %arg8[%swap3A_156, %swap3A_157] : memref<1x4096xf32, #tpu.memory_space<vmem>>, vector<1x4096xf32>
      tpu.vector_store %arg8[%swap3A_156, %swap3A_157], %select_n3A_155 {strides = array<i32>} : memref<1x4096xf32, #tpu.memory_space<vmem>>, vector<1x4096xf32>,
    } else {
    }
    %eq3A_108 = arith.constant 0 : i32
    %eq3A_109 = arith.cmpi eq, %arg1, %eq3A_108 : i32
    %convert_element_type3A_110 = arith.extui %eq3A_109 : i1 to i32
    %cond3A_111 = arith.constant 0 : i32
    %cond3A_112 = arith.cmpi ne, %convert_element_type3A_110, %cond3A_111 : i32
    scf.if %cond3A_112 {
      %get3A_142 = arith.constant 0 : index
      %get3A_143 = arith.constant 0 : index
      %get3A_144 = vector.load %arg9[%get3A_142, %get3A_143] : memref<1x4096xi32, #tpu.memory_space<vmem>>, vector<1x4096xi32>
      %swap3A = arith.constant 0 : index
      %swap3A_145 = arith.constant 0 : index
      %swap3A_146 = vector.load %arg11[%swap3A, %swap3A_145] : memref<1x4096xi32, #tpu.memory_space<vmem>>, vector<1x4096xi32>
      tpu.vector_store %arg11[%swap3A, %swap3A_145], %get3A_144 {strides = array<i32>} : memref<1x4096xi32, #tpu.memory_space<vmem>>, vector<1x4096xi32>,
      %get3A_147 = arith.constant 0 : index
      %get3A_148 = arith.constant 0 : index
      %get3A_149 = vector.load %arg8[%get3A_147, %get3A_148] : memref<1x4096xf32, #tpu.memory_space<vmem>>, vector<1x4096xf32>
      %convert_element_type3A_150 = arith.truncf %get3A_149 : vector<1x4096xf32> to vector<1x4096xbf16>
      %convert_element_type3A_151 = arith.extf %convert_element_type3A_150 : vector<1x4096xbf16> to vector<1x4096xf32>
      %swap3A_152 = arith.constant 0 : index
      %swap3A_153 = arith.constant 0 : index
      %swap3A_154 = vector.load %arg10[%swap3A_152, %swap3A_153] : memref<1x4096xf32, #tpu.memory_space<vmem>>, vector<1x4096xf32>
      tpu.vector_store %arg10[%swap3A_152, %swap3A_153], %convert_element_type3A_151 {strides = array<i32>} : memref<1x4096xf32, #tpu.memory_space<vmem>>, vector<1x4096xf32>,
      %get3A_155 = arith.constant 0 : index
      %get3A_156 = arith.constant 0 : index
      %get3A_157 = vector.load %arg8[%get3A_155, %get3A_156] : memref<1x4096xf32, #tpu.memory_space<vmem>>, vector<1x4096xf32>
      %swap3A_158 = arith.constant 0 : index
      %swap3A_159 = arith.constant 0 : index
      %swap3A_160 = vector.load %arg12[%swap3A_158, %swap3A_159] : memref<1x4096xf32, #tpu.memory_space<vmem>>, vector<1x4096xf32>
      tpu.vector_store %arg12[%swap3A_158, %swap3A_159], %get3A_157 {strides = array<i32>} : memref<1x4096xf32, #tpu.memory_space<vmem>>, vector<1x4096xf32>,
    } else {
    }
    %jit3A_113 = arith.constant 1 : i32
    %eq3A_114 = arith.constant 0 : i32
    %eq3A_115 = arith.cmpi eq, %jit3A_113, %eq3A_114 : i32
    %jit3A_116 = arith.constant 1 : i32
    %select_n3A_117 = arith.select %eq3A_115, %jit3A_116, %jit3A_113 : i32
    %rem3A_118 = arith.remsi %arg1, %select_n3A_117 : i32
    %ne3A_119 = arith.constant 0 : i32
    %ne3A_120 = arith.cmpi ne, %rem3A_118, %ne3A_119 : i32
    %lt3A_121 = arith.constant 0 : i32
    %lt3A_122 = arith.cmpi slt, %rem3A_118, %lt3A_121 : i32
    %lt3A_123 = arith.constant 0 : i32
    %lt3A_124 = arith.cmpi slt, %select_n3A_117, %lt3A_123 : i32
    %ne3A_125 = arith.xori %lt3A_122, %lt3A_124 : i1
    %and3A_126 = arith.andi %ne3A_125, %ne3A_120 : i1
    %add3A_127 = arith.addi %rem3A_118, %select_n3A_117 : i32
    %select_n3A_128 = arith.select %and3A_126, %add3A_127, %rem3A_118 : i32
    %eq3A_129 = arith.constant 0 : i32
    %eq3A_130 = arith.cmpi eq, %select_n3A_128, %eq3A_129 : i32
    %ne3A_131 = arith.constant 0 : i32
    %ne3A_132 = arith.cmpi ne, %arg1, %ne3A_131 : i32
    %and3A_133 = arith.andi %eq3A_130, %ne3A_132 : i1
    %convert_element_type3A_134 = arith.extui %and3A_133 : i1 to i32
    %cond3A_135 = arith.constant 0 : i32
    %cond3A_136 = arith.cmpi ne, %convert_element_type3A_134, %cond3A_135 : i32
    scf.if %cond3A_136 {
      %get3A_142 = arith.constant 0 : index
      %get3A_143 = arith.constant 0 : index
      %get3A_144 = vector.load %arg8[%get3A_142, %get3A_143] : memref<1x4096xf32, #tpu.memory_space<vmem>>, vector<1x4096xf32>
      %get3A_145 = arith.constant 0 : index
      %get3A_146 = arith.constant 0 : index
      %get3A_147 = vector.load %arg10[%get3A_145, %get3A_146] : memref<1x4096xf32, #tpu.memory_space<vmem>>, vector<1x4096xf32>
      %lt3A_148 = arith.cmpf olt, %get3A_144, %get3A_147 : vector<1x4096xf32>
      %get3A_149 = arith.constant 0 : index
      %get3A_150 = arith.constant 0 : index
      %get3A_151 = vector.load %arg9[%get3A_149, %get3A_150] : memref<1x4096xi32, #tpu.memory_space<vmem>>, vector<1x4096xi32>
      %get3A_152 = arith.constant 0 : index
      %get3A_153 = arith.constant 0 : index
      %get3A_154 = vector.load %arg11[%get3A_152, %get3A_153] : memref<1x4096xi32, #tpu.memory_space<vmem>>, vector<1x4096xi32>
      %select_n3A_155 = arith.select %lt3A_148, %get3A_151, %get3A_154 : vector<1x4096xi1>, vector<1x4096xi32>
      %swap3A = arith.constant 0 : index
      %swap3A_156 = arith.constant 0 : index
      %swap3A_157 = vector.load %arg11[%swap3A, %swap3A_156] : memref<1x4096xi32, #tpu.memory_space<vmem>>, vector<1x4096xi32>
      tpu.vector_store %arg11[%swap3A, %swap3A_156], %select_n3A_155 {strides = array<i32>} : memref<1x4096xi32, #tpu.memory_space<vmem>>, vector<1x4096xi32>,
      %get3A_158 = arith.constant 0 : index
      %get3A_159 = arith.constant 0 : index
      %get3A_160 = vector.load %arg8[%get3A_158, %get3A_159] : memref<1x4096xf32, #tpu.memory_space<vmem>>, vector<1x4096xf32>
      %get3A_161 = arith.constant 0 : index
      %get3A_162 = arith.constant 0 : index
      %get3A_163 = vector.load %arg10[%get3A_161, %get3A_162] : memref<1x4096xf32, #tpu.memory_space<vmem>>, vector<1x4096xf32>
      %select_n3A_164 = arith.select %lt3A_148, %get3A_160, %get3A_163 : vector<1x4096xi1>, vector<1x4096xf32>
      %convert_element_type3A_165 = arith.truncf %select_n3A_164 : vector<1x4096xf32> to vector<1x4096xbf16>
      %convert_element_type3A_166 = arith.extf %convert_element_type3A_165 : vector<1x4096xbf16> to vector<1x4096xf32>
      %swap3A_167 = arith.constant 0 : index
      %swap3A_168 = arith.constant 0 : index
      %swap3A_169 = vector.load %arg10[%swap3A_167, %swap3A_168] : memref<1x4096xf32, #tpu.memory_space<vmem>>, vector<1x4096xf32>
      tpu.vector_store %arg10[%swap3A_167, %swap3A_168], %convert_element_type3A_166 {strides = array<i32>} : memref<1x4096xf32, #tpu.memory_space<vmem>>, vector<1x4096xf32>,
      %get3A_170 = arith.constant 0 : index
      %get3A_171 = arith.constant 0 : index
      %get3A_172 = vector.load %arg8[%get3A_170, %get3A_171] : memref<1x4096xf32, #tpu.memory_space<vmem>>, vector<1x4096xf32>
      %get3A_173 = arith.constant 0 : index
      %get3A_174 = arith.constant 0 : index
      %get3A_175 = vector.load %arg12[%get3A_173, %get3A_174] : memref<1x4096xf32, #tpu.memory_space<vmem>>, vector<1x4096xf32>
      %select_n3A_176 = arith.select %lt3A_148, %get3A_172, %get3A_175 : vector<1x4096xi1>, vector<1x4096xf32>
      %swap3A_177 = arith.constant 0 : index
      %swap3A_178 = arith.constant 0 : index
      %swap3A_179 = vector.load %arg12[%swap3A_177, %swap3A_178] : memref<1x4096xf32, #tpu.memory_space<vmem>>, vector<1x4096xf32>
      tpu.vector_store %arg12[%swap3A_177, %swap3A_178], %select_n3A_176 {strides = array<i32>} : memref<1x4096xf32, #tpu.memory_space<vmem>>, vector<1x4096xf32>,
    } else {
    }
    %eq3A_137 = arith.constant 3 : i32
    %eq3A_138 = arith.cmpi eq, %arg1, %eq3A_137 : i32
    %convert_element_type3A_139 = arith.extui %eq3A_138 : i1 to i32
    %cond3A_140 = arith.constant 0 : i32
    %cond3A_141 = arith.cmpi ne, %convert_element_type3A_139, %cond3A_140 : i32
    scf.if %cond3A_141 {
      %get3A_142 = arith.constant 0 : index
      %get3A_143 = arith.constant 0 : index
      %get3A_144 = vector.load %arg11[%get3A_142, %get3A_143] : memref<1x4096xi32, #tpu.memory_space<vmem>>, vector<1x4096xi32>
      %reshape3A = vector.shape_cast %get3A_144 : vector<1x4096xi32> to vector<1x1x4096xi32>
      %swap3A = arith.constant 0 : index
      %swap3A_145 = arith.constant 0 : index
      %swap3A_146 = arith.constant 0 : index
      %swap3A_147 = vector.load %arg6[%swap3A, %swap3A_145, %swap3A_146] : memref<1x1x4096xi32, #tpu.memory_space<vmem>>, vector<1x1x4096xi32>
      tpu.vector_store %arg6[%swap3A, %swap3A_145, %swap3A_146], %reshape3A {strides = array<i32>} : memref<1x1x4096xi32, #tpu.memory_space<vmem>>, vector<1x1x4096xi32>,
      %get3A_148 = arith.constant 0 : index
      %get3A_149 = arith.constant 0 : index
      %get3A_150 = vector.load %arg12[%get3A_148, %get3A_149] : memref<1x4096xf32, #tpu.memory_space<vmem>>, vector<1x4096xf32>
      %reduce_sum3A = vector.shape_cast %get3A_150 : vector<1x4096xf32> to vector<1x1x4096xf32>
      %reduce_sum3A_151 = arith.constant dense<0.000000e+00> : vector<1xf32>
      %reduce_sum3A_152 = vector.multi_reduction <add>, %reduce_sum3A, %reduce_sum3A_151 [1, 2] : vector<1x1x4096xf32> to vector<1xf32>
      %reduce_sum3A_153 = vector.shape_cast %reduce_sum3A_152 : vector<1xf32> to vector<1x1x1xf32>
      %reduce_sum3A_154 = vector.extract %reduce_sum3A_153[0, 0, 0] : f32 from vector<1x1x1xf32>
      %eq3A_155 = arith.constant 0 : i32
      %eq3A_156 = arith.cmpi eq, %arg0, %eq3A_155 : i32
      %convert_element_type3A_157 = arith.extui %eq3A_156 : i1 to i32
      %cond3A_158 = arith.constant 0 : i32
      %cond3A_159 = arith.cmpi ne, %convert_element_type3A_157, %cond3A_158 : i32
      scf.if %cond3A_159 {
        %swap3A_167 = arith.constant 0.000000e+00 : f32
        %swap3A_168 = arith.constant 0 : index
        %swap3A_169 = arith.constant 0 : index
        %swap3A_170 = memref.load %arg7[%swap3A_168, %swap3A_169] : memref<1x1xf32, #tpu.memory_space<smem>>
        memref.store %swap3A_167, %arg7[%swap3A_168, %swap3A_169] : memref<1x1xf32, #tpu.memory_space<smem>>
      } else {
      }
      %get3A_160 = arith.constant 0 : index
      %get3A_161 = arith.constant 0 : index
      %get3A_162 = memref.load %arg7[%get3A_160, %get3A_161] : memref<1x1xf32, #tpu.memory_space<smem>>
      %add3A_163 = arith.addf %get3A_162, %reduce_sum3A_154 : f32
      %swap3A_164 = arith.constant 0 : index
      %swap3A_165 = arith.constant 0 : index
      %swap3A_166 = memref.load %arg7[%swap3A_164, %swap3A_165] : memref<1x1xf32, #tpu.memory_space<smem>>
      memref.store %add3A_163, %arg7[%swap3A_164, %swap3A_165] : memref<1x1xf32, #tpu.memory_space<smem>>
    } else {
    }
    return
  }
  func.func @transform_0(%arg0: i32, %arg1: i32) -> (i32, i32) {
    %c0_i32 = arith.constant 0 : i32
    %c0_i32_0 = arith.constant 0 : i32
    return %arg0, %c0_i32 : i32, i32
  }
  func.func @transform_1(%arg0: i32, %arg1: i32) -> (i32, i32) {
    %c0_i32 = arith.constant 0 : i32
    %c0_i32_0 = arith.constant 0 : i32
    return %arg1, %c0_i32 : i32, i32
  }
  func.func @transform_2(%arg0: i32, %arg1: i32) -> (i32, i32) {
    %c0_i32 = arith.constant 0 : i32
    %c0_i32_0 = arith.constant 0 : i32
    return %arg1, %c0_i32 : i32, i32
  }
  func.func @transform_3(%arg0: i32, %arg1: i32) -> (i32, i32, i32) {
    %c0_i32 = arith.constant 0 : i32
    %c0_i32_0 = arith.constant 0 : i32
    %c0_i32_1 = arith.constant 0 : i32
    return %arg0, %c0_i32, %c0_i32_0 : i32, i32, i32
  }
  func.func @transform_4(%arg0: i32, %arg1: i32) -> (i32, i32, i32) {
    %c0_i32 = arith.constant 0 : i32
    %c0_i32_0 = arith.constant 0 : i32
    %c0_i32_1 = arith.constant 0 : i32
    return %arg0, %c0_i32, %c0_i32_0 : i32, i32, i32
  }
  func.func @transform_5(%arg0: i32, %arg1: i32) -> (i32, i32) {
    %c0_i32 = arith.constant 0 : i32
    %c0_i32_0 = arith.constant 0 : i32
    %c0_i32_1 = arith.constant 0 : i32
    return %c0_i32, %c0_i32_0 : i32, i32
  }
}

</mosaic_0001>

<sc_bundles>
// kernel: kernel.5.cloned.1.call-start
scs
__scs_entry_jumppad:
0x0: {  	(pc) =	sbr.rel $0x88, $3  }
0x1: {  	(tag) =	ssettag $0x0;
	lr =	simm.s32 $0x1  }
0x2: {  	[smem:$0x3F9F] =	sst lr;
	_ =	strace $0xD0000000  }
0x3: {  	_ = 	snop  }
0x4: {  	_ = 	snop  }
0x5: {  	_ = 	snop  }
0x6: {  	_ = 	snop  }
0x7: {  	_ = 	snop  }
__scs_overlays_trampoline_lowered:
0x8: {  	[smem:$0x3FAE] =	sst s0  }
0x9: {  	[smem:$0x3FAF] =	sst s1  }
0xa: {  	[smem:$0x3FB0] =	sst s2  }
0xb: {  	[smem:$0x3FB1] =	sst s3  }
0xc: {  	[smem:$0x3FB2] =	sst s4  }
0xd: {  	[smem:$0x3FB3] =	sst s5  }
0xe: {  	[smem:$0x3FB4] =	sst s6  }
0xf: {  	[smem:$0x3FB5] =	sst s7  }
0x10: {  	[smem:$0x3FB6] =	sst s8  }
0x11: {  	[smem:$0x3FB7] =	sst s9;
	s0 =	simm.s32 @!p0 $0x0  }
0x12: {  	s1 =	sld [smem:$0x3F9D];
	s0 =	simm.s32 @p0 $0x1  }
0x13: {  	[smem:$0x3FB8] =	sst s0;
	s0 =	simm.s32 @!p1 $0x0  }
0x14: {  	s2 =	sld [smem:$0x3F9C];
	s0 =	simm.s32 @p1 $0x1  }
0x15: {  	[smem:$0x3FB9] =	sst s0;
	s0 =	simm.s32 @!p2 $0x0  }
0x16: {  	s3 =	sld [smem:$0x3FDB];
	s0 =	simm.s32 @p2 $0x1  }
0x17: {  	s4 =	simm.s32 $0x1BF5;
	[smem:$0x3FBB] =	sst s0  }
0x18: {  	s0 =	sld [smem:$0x3F9E];
	_ =	swait.ge [sflag:s4], $0x0  }
0x19: {  	s7 =	sld [smem:$0x3F9F]  }
0x1a: {  	s8 =	sadd.s32 $0xFFFFE003, lr  }
0x1b: {  	s9 =	sadd.s32 $0xFFFFFEF7, lr;
	s5 =	simm.s32 $0xFFFFFFFF;
	p2 =	slt.u32 s8, $0xFFFFF086  }
0x1c: {  	p1 =	slt.u32 s9, $0xF7A;
	s5 =	simm.s32 @!p2 $0x0  }
0x1d: {  	s5 =	simm.s32 @p1 $0x1;
	p0 =	seq.s32 s7, s2  }
0x1e: {  	s7 =	smul.u32 @!p0 $0xF7A, s2;
	p2 =	seq.s32 @!p0 s5, $0x0  }
0x1f: {  	s9 =	smul.u32 $0xF7A, s1;
	s8 =	simm.s32 @!p0 $0x1BF5;
	p2 =	por !p2, p0  }
0x20: {  	[sflag:s8] =	ssyncset.s32 @!p0 $0xFFFFF086;
	s6 =	sadd.s32 @!p0 s3, s7;
	s7 =	simm.s32 @!p0 $0x108  }
0x21: {  	s3 =	sadd.s32 s3, s9;
	s6 =	sadd.s32 @!p0 $0x88, s6;
	s7 =	simm.s32 @p2 $0x1082  }
0x22: {  	[simem:s7], [sflag:s8] =	dma.local @!p0 [hbm:s6], $0xF7A  }
0x23: {  	s9 =	sor.u32 $0xD0000000, s2;
	s6 =	simm.s32 $0x108;
	_ =	swait.ge @!p0 [sflag:s8], $0x0  }
0x24: {  	s3 =	sadd.s32 $0x88, s3;
	s6 =	simm.s32 @!p1 $0x1082;
	[sflag:s4] =	ssyncset.s32 $0xFFFFF086  }
0x25: {  	[simem:s6], [sflag:s4] =	dma.local [hbm:s3], $0xF7A  }
0x26: {  	[smem:$0x3F9F] =	sst s1;
	(tag) =	ssettag s2;
	_ =	strace s9  }
0x27: {  	s1 =	sld [smem:$0x3FAF]  }
0x28: {  	s2 =	sld [smem:$0x3FB0]  }
0x29: {  	s4 =	sld [smem:$0x3FB2]  }
0x2a: {  	p0 =	seq.s32 s5, $0x0;
	s5 =	sld [smem:$0x3FB3]  }
0x2b: {  	s6 =	sld [smem:$0x3FB4]  }
0x2c: {  	s7 =	sld [smem:$0x3FB5]  }
0x2d: {  	s3 =	simm.s32 $0x108;
	s8 =	sld [smem:$0x3FB6]  }
0x2e: {  	s3 =	simm.s32 @!p0 $0x1082;
	s9 =	sld [smem:$0x3FB7]  }
0x2f: {  	lr =	sadd.s32 s0, s3;
	s0 =	sld [smem:$0x3FAE]  }
0x30: {  	s3 =	sld [smem:$0x3FB1]  }
0x31: {  	[smem:$0x3FBA] =	sst s10  }
0x32: {  	s10 =	sld [smem:$0x3FB8];
	_ =	sdelay $0x3  }
0x33: {  	p0 =	seq.s32 s10, $0x1;
	s10 =	sld [smem:$0x3FBA];
	_ =	sdelay $0x3  }
0x34: {  	[smem:$0x3FBA] =	sst s10  }
0x35: {  	s10 =	sld [smem:$0x3FB9];
	_ =	sdelay $0x3  }
0x36: {  	p1 =	seq.s32 s10, $0x1;
	s10 =	sld [smem:$0x3FBA];
	_ =	sdelay $0x3  }
0x37: {  	[smem:$0x3FBA] =	sst s10  }
0x38: {  	s10 =	sld [smem:$0x3FBB]  }
0x39: {  	_ = 	snop;
	(pc) =	sbr.ind lr, $3  }
0x3a: {  	_ = 	snop  }
0x3b: {  	_ = 	snop  }
0x3c: {  	p2 =	seq.s32 s10, $0x1;
	s10 =	sld [smem:$0x3FBA]  }
0x3d: {  	_ =	shalt  }
0x3e: {  	_ =	shalt  }
0x3f: {  	_ =	shalt  }
0x40: {  	_ =	shalt  }
0x41: {  	_ =	shalt  }
0x42: {  	_ =	shalt  }
0x43: {  	_ =	shalt  }
0x44: {  	_ =	shalt  }
0x45: {  	_ =	shalt  }
0x46: {  	_ =	shalt  }
0x47: {  	_ =	shalt  }
0x48: {  	_ =	shalt  }
0x49: {  	_ =	shalt  }
0x4a: {  	_ =	shalt  }
0x4b: {  	_ =	shalt  }
0x4c: {  	_ =	shalt  }
0x4d: {  	_ =	shalt  }
0x4e: {  	_ =	shalt  }
0x4f: {  	_ =	shalt  }
0x50: {  	_ =	shalt  }
0x51: {  	_ =	shalt  }
0x52: {  	_ =	shalt  }
0x53: {  	_ =	shalt  }
0x54: {  	_ =	shalt  }
0x55: {  	_ =	shalt  }
0x56: {  	_ =	shalt  }
0x57: {  	_ =	shalt  }
0x58: {  	_ =	shalt  }
0x59: {  	_ =	shalt  }
0x5a: {  	_ =	shalt  }
0x5b: {  	_ =	shalt  }
0x5c: {  	_ =	shalt  }
0x5d: {  	_ =	shalt  }
0x5e: {  	_ =	shalt  }
0x5f: {  	_ =	shalt  }
0x60: {  	_ =	shalt  }
0x61: {  	_ =	shalt  }
0x62: {  	_ =	shalt  }
0x63: {  	_ =	shalt  }
0x64: {  	_ =	shalt  }
0x65: {  	_ =	shalt  }
0x66: {  	_ =	shalt  }
0x67: {  	_ =	shalt  }
0x68: {  	_ =	shalt  }
0x69: {  	_ =	shalt  }
0x6a: {  	_ =	shalt  }
0x6b: {  	_ =	shalt  }
0x6c: {  	_ =	shalt  }
0x6d: {  	_ =	shalt  }
0x6e: {  	_ =	shalt  }
0x6f: {  	_ =	shalt  }
0x70: {  	_ =	shalt  }
0x71: {  	_ =	shalt  }
0x72: {  	_ =	shalt  }
0x73: {  	_ =	shalt  }
0x74: {  	_ =	shalt  }
0x75: {  	_ =	shalt  }
0x76: {  	_ =	shalt  }
0x77: {  	_ =	shalt  }
0x78: {  	_ =	shalt  }
0x79: {  	_ =	shalt  }
0x7a: {  	_ =	shalt  }
0x7b: {  	_ =	shalt  }
0x7c: {  	_ =	shalt  }
0x7d: {  	_ =	shalt  }
0x7e: {  	_ =	shalt  }
0x7f: {  	_ =	shalt  }
0x80: {  	_ =	shalt  }
0x81: {  	_ =	shalt  }
0x82: {  	_ =	shalt  }
0x83: {  	_ =	shalt  }
0x84: {  	_ =	shalt  }
0x85: {  	_ =	shalt  }
0x86: {  	_ =	shalt  }
0x87: {  	_ =	shalt  }
.Lfunc_end0:
.L_simem_size_0:
called_computation_lowered:
.L_overlay_start_0:
0x88: {  	s2 =	sld [smem:$0x3FD9]  }
0x89: {  	s3 =	sld [smem:$0x3FFE];
	_ =	sdelay $0x1  }
0x8a: {  	s1 =	srdreg.scid  }
0x8b: {  	s0 =	sand.u32 $0x1, s1  }
0x8c: {  	s14 =	sshll.u32 s0, $0xA;
	s2 =	sadd.s32 s3, s2  }
0x8d: {  	s2 =	sadd.s32 s2, s14  }
0x8e: {  	[smem:$0x3FC6] =	sst s2  }
0x8f: {  	_ = 	snop  }
0x90: {  	s2 =	sld [smem:$0x3FD0];
	_ =	sdelay $0x2  }
0x91: {  	s15 =	simm.s32 $0xA;
	s4 =	simm.s32 $0x10  }
0x92: {  	[smem:s4], [sflag:s15] =	dma.local [hbm:s2], $0x1  }
0x93: {  	_ =	swait.eq [sflag:s15], $0x1  }
0x94: {  	[sflag:s15] =	ssyncset.done $0x0  }
0x95: {  	[sflag:s15] =	ssyncadd.s32 $0xFFFFFFFF  }
0x96: {  	s16 =	sld [smem:$0x10];
	(tm) =	ssettm $0x1  }
0x97: {  	s17 =	sld [smem:$0x3FFB];
	_ =	sdelay $0x3  }
0x98: {  	_ =	strace s17  }
0x99: {  	s3 =	sld [smem:$0x3FFC];
	_ =	sdelay $0x3  }
0x9a: {  	_ =	strace s3  }
0x9b: {  	s3 =	sld [smem:$0x3FFD];
	_ =	sdelay $0x3  }
0x9c: {  	_ =	strace s3  }
0x9d: {  	_ =	strace $0x8FFFFFFF  }
0x9e: {  	s18 =	sld [smem:$0x3FDB];
	_ =	sdelay $0x1  }
0x9f: {  	s19 =	simm.s32 $_scs_section_size  }
0xa0: {  	s5 =	simm.s32 $_size__tile_overlayer_lowered;
	s6 =	simm.s32 $_tile_overlayer_lowered  }
0xa1: {  	s22 =	simm.s32 $0x1BFF;
	s21 =	sshll.u32 s6, $0x1;
	s3 =	sadd.s32 s19, s18  }
0xa2: {  	s7 =	simm.s32 $0x0;
	s20 =	sshll.u32 s5, $0x1;
	s5 =	sadd.s32 s21, s3  }
0xa3: {  	[timem:s7], [sflag:s22] =	dma.local [hbm:s5], s20  }
0xa4: {  	_ =	swait.ge [sflag:s22], s20  }
0xa5: {  	s4 =	ssub.s32 $0x0, s20;
	[sflag:s22] =	ssyncset.done $0x0  }
0xa6: {  	[sflag:s22] =	ssyncadd.s32 s4;
	_ =	sdelay $0x1  }
0xa7: {  	s23 =	simm.s32 $0x1B8B  }
0xa8: {  	_ =	swait.ge [sflag:s23], $0x1  }
0xa9: {  	[sflag:s23] =	ssyncset.done $0x0  }
0xaa: {  	s25 =	simm.s32 $0x1B8E;
	s24 =	sld [smem:$0x3FFE];
	[sflag:s23] =	ssyncadd.s32 $0xFFFFFFFF  }
0xab: {  	s26 =	simm.s32 $execute0_lowered;
	[smem:$0x3FD2] =	sst s25  }
0xac: {  	s5 =	sshll.u32 s26, $0x1;
	_ =	strace $0x80000046;
	[dreg:$0x1] =	wrdreg $0xFFFFFFFF  }
0xad: {  	s28 =	simm.s32 $_size_execute0_lowered;
	s3 =	sadd.s32 s3, s5;
	[dreg:$0x0] =	wrdreg $0x0  }
0xae: {  	s5 =	sshll.u32 s28, $0x1;
	[dreg:$0x2] =	wrdreg s3  }
0xaf: {  	[dreg:$0x3] =	wrdreg s5  }
0xb0: {  	[dreg:$0x4] =	wrdreg $0xC0  }
0xb1: {  	_ =	task [dreg:s7], $0x5FFFF  }
0xb2: {  	[dreg:$0x1] =	wrdreg $0xFFFFFFFF  }
0xb3: {  	[dreg:$0x0] =	wrdreg $0x60  }
0xb4: {  	[dreg:$0x2] =	wrdreg s16  }
0xb5: {  	[dreg:$0x3] =	wrdreg s24  }
0xb6: {  	[dreg:$0x4] =	wrdreg $0x9  }
0xb7: {  	_ =	task.clear_ibuf [dreg:s7], $0x5FFFF;
	_ =	strace $0x90000046  }
0xb8: {  	s29 =	simm.s32 $0x9;
	_ =	strace $0x80000048  }
0xb9: {  	_ =	swait.ge [sflag:s29], $0x1  }
0xba: {  	[sflag:s29] =	ssyncadd.s32 $0xFFFFFFFF  }
0xbb: {  	_ =	strace $0x90000048  }
0xbc: {  	_ =	sfence  }
0xbd: {  	s30 =	sld [smem:$0x0];
	_ =	sdelay $0x2  }
0xbe: {  	s31 =	sshll.u32 s1, $0xD;
	s1 =	sshrl.u32 s1, $0x2  }
0xbf: {  	s3 =	sand.u32 $0x4000, s31;
	s1 =	sadd.s32 s1, s30  }
0xc0: {  	s0 =	sor.u32 s3, s0;
	s1 =	sshll.u32 s1, $0x11  }
0xc1: {  	s0 =	sor.u32 s1, s0  }
0xc2: {  	s0 =	sadd.s32 $0x8F2B, s0  }
0xc3: {  	[sflag:s0] =	ssyncadd.remote.s32 $0x1  }
0xc4: {  	_ =	sfence.sel $0xFFFF  }
0xc5: {  	[dreg:$0x0] =	wrdreg $0xFFFFFFFF;
	(pc) =	sbr.abs _section_cstart, $3  }
0xc6: {  	[dreg:$0x1] =	wrdreg $0xFFFFFFFF  }
0xc7: {  	_ =	task.clear_ibuf [dreg:s7], $0x2FFFF;
	_ =	strace $0x9FFFFFFF  }
0xc8: {  	(tm) =	ssettm $0x7FFFFFFF  }
0xc9: {  	_ =	shalt  }
tec
execute0_lowered:
.L_overlay_start_1:
0x0: {  	(tag) =	ssettag $0x1  }
0x1: {  	s1 =	srdreg.scid  }
0x2: {  	s0 =	stileid.u32;
	s6 =	sand.u32 $0x1, s1  }
0x3: {  	s2 =	rddreg [dreg:$0x0];
	s30 =	sshll.u32 s0, $0x9;
	s3 =	sshll.u32 s6, $0x8  }
0x4: {  	s8 =	rddreg [dreg:$0x1];
	s7 =	simm.s32 $0x1;
	s9 =	sor.u32 s3, s30  }
0x5: {  	s1 =	rddreg [dreg:$0x2];
	s3 =	simm.s32 $0x0;
	s4 =	sshrl.u32 s9, $0x3  }
0x6: {  	s10 =	ssub.s32 $0x2, s6;
	[smem:$0x7FF] =	sst s3;
	s4 =	sadd.s32 s4, s8  }
0x7: {  	_ =	strace $0x80000047;
	s5 =	sadd.s32 $0xC00, s4;
	s4 =	simm.s32 $0x2  }
0x8: {  	[tilespmem:s3], [sflag:$0x2] =	stream.linear.gather [hbm4b:s5+s3], $0x100, $0x38;
	[tilespmem:$0x2100] =	vst v63  }
0x9: {  	s6 =	simm.s32 $0x100;
	s11 =	sshrl.u32 s10, $0x1;
	_ =	swait.ge [sflag:s4], $0x100  }
0xa: {  	s9 =	sshll.u32 s9, $0x2;
	s31 =	ssub.s32 s10, s11;
	[sflag:s4] =	ssyncset.done $0x0  }
0xb: {  	s8 =	sadd.s32 s9, s8;
	s9 =	smax.u32 s31, $0x1;
	[sflag:s4] =	ssyncadd.s32 $0xFFFFFF00  }
0xc: {  	[tilespmem:s6], [sflag:$0x1] =	stream.indirect.gather [hbm4b:s2+s6], $0x20, s3, s6, $0xb8;
	[tilespmem:$0x2100] =	vst v63  }
0xd: {  	p0 =	sne.s32 s9, $0x1;
	_ =	swait.ge [sflag:s7], $0x2000  }
.Ltmp0:
0xe: {  	[sflag:s7] =	ssyncset.done $0x0;
	(pc) =	sbr.rel @!p0 .LBB2_2-.Ltmp0, $4  }
0xf: {  	s8 =	sadd.s32 $0x1000, s8;
	[sflag:s7] =	ssyncadd.s32 $0xFFFFE000  }
0x10: {  	[hbm4b:s8+s3] =	stream.linear.scatter [tilespmem:s6], [sflag:$0x2], $0x2000, $0x38;
	[tilespmem:$0x2100] =	vst v63  }
0x11: {  	_ =	swait.ge [sflag:s4], $0x2000  }
0x12: {  	s9 =	sadd.s32 $0xFFFFFFFF, s9;
	[sflag:s4] =	ssyncset.done $0x0  }
.LBB2_1:
0x13: {  	p0 =	sne.s32 s9, $0x1;
	s9 =	sadd.s32 $0xFFFFFFFF, s9;
	[sflag:s4] =	ssyncadd.s32 $0xFFFFE000  }
0x14: {  	[tilespmem:s3], [sflag:$0x2] =	stream.linear.gather [hbm4b:s5+s3], $0x100, $0x38;
	[tilespmem:$0x2100] =	vst v63  }
0x15: {  	_ =	swait.ge [sflag:s4], $0x100  }
0x16: {  	[sflag:s4] =	ssyncset.done $0x0  }
0x17: {  	[sflag:s4] =	ssyncadd.s32 $0xFFFFFF00  }
0x18: {  	[tilespmem:s6], [sflag:$0x1] =	stream.indirect.gather [hbm4b:s2+s6], $0x20, s3, s6, $0xb8;
	[tilespmem:$0x2100] =	vst v63  }
0x19: {  	_ =	swait.ge [sflag:s7], $0x2000  }
.Ltmp1:
0x1a: {  	[sflag:s7] =	ssyncset.done $0x0;
	(pc) =	sbr.rel @p0 .LBB2_1-.Ltmp1, $4  }
0x1b: {  	[sflag:s7] =	ssyncadd.s32 $0xFFFFE000  }
0x1c: {  	[hbm4b:s8+s3] =	stream.linear.scatter [tilespmem:s6], [sflag:$0x2], $0x2000, $0x38;
	[tilespmem:$0x2100] =	vst v63  }
0x1d: {  	_ =	swait.ge [sflag:s4], $0x2000  }
0x1e: {  	[sflag:s4] =	ssyncset.done $0x0  }
.LBB2_2:
0x1f: {  	[sflag:s4] =	ssyncadd.s32 $0xFFFFE000  }
0x20: {  	_ =	sfence.sel $0x180000  }
0x21: {  	[bflag:$0x0] =	sbarrier.arrive $0xFFFF  }
0x22: {  	p0 =	sne.s32 s0, $0x0;
	_ =	strace $0x90000047  }
0x23: {  	s0 =	sadd.s32 @!p0 $0x100000, s1;
	[bflag:$0x2] =	sbarrier.arrive $0xFFFF  }
0x24: {  	[sflag:s0] =	ssyncadd.tile.s32 @!p0 $0x1;
	_ =	shalt  }
.Lfunc_end2:
_tile_overlayer_lowered:
.L_overlay_start_2:
0x25: {  	(tag) =	ssettag $0x2  }
0x26: {  	s0 =	rddreg [dreg:$0x0];
	s2 =	stileid.u32  }
0x27: {  	s1 =	rddreg [dreg:$0x1];
	p0 =	sne.s32 s2, $0x0  }
0x28: {  	s3 =	rddreg [dreg:$0x2];
	[bflag:$0x3] =	sbarrier.arrive $0xFFFF;
	s2 =	simm.s32 @!p0 $0x1C02  }
0x29: {  	[timem:s3], [sflag:s2] =	dma.local @!p0 [hbm:s0], s1  }
0x2a: {  	s0 =	simm.s32 @!p0 $0x2  }
0x2b: {  	_ =	swait.ge @!p0 [sflag:s0], s1  }
0x2c: {  	s1 =	ssub.s32 @!p0 $0x0, s1;
	[sflag:s0] =	ssyncset.done @!p0 $0x0  }
0x2d: {  	[sflag:s0] =	ssyncadd.s32 @!p0 s1  }
0x2e: {  	[bflag:$0x3] =	sbarrier.arrive $0xFFFF  }
0x2f: {  	_ =	shalt  }

</sc_bundles>
